<compile_context>
chip_gen: v7x
topology: tpu7x:2x2x1
jax: 0.10.2.dev20260603
libtpu: 0.0.44.dev20260713+nightly
codegen_flags: <defaults>
</compile_context>

<pallas_src>
import functools

import jax
import jax.numpy as jnp
from jax import lax
from jax.experimental import pallas as pl
from jax.experimental.pallas import tpu as pltpu
from jax.experimental.pallas import tpu_sc as plsc

VOCAB = 1000
EMB_DIM = 128
HID = 8

_NC = 2
_NS = 16
_NW = _NC * _NS
_CH = 128
_BB = 2048


def _tables_body(emb_ref, w_ref, out_ref):
    e = emb_ref[...]
    wa = w_ref[:, :EMB_DIM]
    wb = w_ref[:, EMB_DIM:]
    dn = (((1,), (1,)), ((), ()))
    out_ref[:VOCAB, :] = lax.dot_general(e, wa, dn, preferred_element_type=jnp.float32)
    out_ref[VOCAB:, :] = lax.dot_general(e, wb, dn, preferred_element_type=jnp.float32)


def _build_tables(emb, fc1_w):
    return pl.pallas_call(
        _tables_body,
        out_shape=jax.ShapeDtypeStruct((2 * VOCAB, HID), jnp.float32),
    )(emb, fc1_w)


_BLANE = 16


def _sc_gather(table, idx2, batch):
    nchunks = 2 * batch // _CH
    per_w = nchunks // _NW
    half_c = nchunks // 2
    mesh = plsc.VectorSubcoreMesh(core_axis_name="c", subcore_axis_name="s")

    @functools.partial(
        pl.kernel,
        mesh=mesh,
        compiler_params=pltpu.CompilerParams(use_tc_tiling_on_sc=False),
        out_type=jax.ShapeDtypeStruct((batch, 128), jnp.float32),
        scratch_types=[
            pltpu.VMEM((per_w, _CH), jnp.int32),
            pltpu.VMEM((per_w * _CH, HID), jnp.float32),
            pltpu.SemaphoreType.DMA,
        ],
    )
    def k(table_hbm, idx_hbm, out_hbm, idx_v, rows_v, sem):
        wid = lax.axis_index("s") * _NC + lax.axis_index("c")
        cbase = wid * per_w
        is_a = cbase < half_c
        lane0 = jnp.where(is_a, 0, _BLANE)
        rsub = jnp.where(is_a, 0, half_c * _CH)
        pltpu.sync_copy(idx_hbm.at[pl.ds(cbase, per_w)], idx_v)
        copies = [
            pltpu.async_copy(table_hbm.at[idx_v.at[j]],
                             rows_v.at[pl.ds(j * _CH, _CH)], sem)
            for j in range(per_w)
        ]
        for c in copies:
            c.wait()
        pltpu.sync_copy(
            rows_v,
            out_hbm.at[pl.ds(cbase * _CH - rsub, per_w * _CH),
                       pl.ds(lane0, HID)])

    return k(table, idx2)


def _mlp_body(g_ref, b1_ref, w2_ref, out_ref):
    g = g_ref[...]
    t = jnp.tanh(g + pltpu.roll(g, 128 - _BLANE, 1) + b1_ref[...])
    lane = lax.broadcasted_iota(jnp.int32, (_BB, 128), 1)
    t = jnp.where(lane < HID, t, jnp.where(lane == HID, 1.0, 0.0))
    out_ref[...] = lax.dot_general(w2_ref[...], t, (((0,), (1,)), ((), ())),
                                   preferred_element_type=jnp.float32)


def _mlp(g2, fc1_b, fc2_w, fc2_b, batch):
    nb = batch // _BB
    b1p = jnp.pad(fc1_b, (0, 128 - HID)).reshape(1, 128)
    w2p = jnp.zeros((128, VOCAB), jnp.float32)
    w2p = w2p.at[:HID].set(fc2_w.T).at[HID].set(fc2_b)
    out_t = pl.pallas_call(
        _mlp_body,
        grid=(nb,),
        in_specs=[
            pl.BlockSpec((_BB, 128), lambda i: (i, 0)),
            pl.BlockSpec((1, 128), lambda i: (0, 0)),
            pl.BlockSpec((128, VOCAB), lambda i: (0, 0)),
        ],
        out_specs=pl.BlockSpec((VOCAB, _BB), lambda i: (0, i)),
        out_shape=jax.ShapeDtypeStruct((VOCAB, batch), jnp.float32),
    )(g2, b1p, w2p)
    return out_t.T


def kernel(x, emb, fc1_w, fc1_b, fc2_w, fc2_b):
    batch = x.shape[0]
    table = _build_tables(emb, fc1_w)
    xi = x.astype(jnp.int32)
    idx = jnp.concatenate([xi[:, 0], xi[:, 1] + VOCAB]).reshape(-1, _CH)
    g = _sc_gather(table, idx, batch)
    return _mlp(g, fc1_b, fc2_w, fc2_b, batch)

# --- scband reference (transcript-rebuilt; emitter-appended) ---
"""Pipeline reference for scband-nnlm-model-8495445311674 (READ-ONLY COPY).

The authoritative reference and input builder live on the scoring server;
editing this copy changes nothing except your own understanding.
"""

import jax, jax.numpy as jnp
import numpy as np

VOCAB = 1000
EMB_DIM = 128
BATCH = 16384
CTX = 2
HID = 8

def setup_inputs(seed: int = 0) -> dict:
    key = jax.random.key(seed)
    k1, k2, k3, k4, k5, k6 = jax.random.split(key, 6)
    x = jax.random.randint(k1, (BATCH, CTX), 0, VOCAB, dtype=jnp.int64 if jax.config.jax_enable_x64 else jnp.int32)
    emb = jax.random.normal(k2, (VOCAB, EMB_DIM), dtype=jnp.float32)
    fc1_w = jax.random.normal(k3, (HID, CTX * EMB_DIM), dtype=jnp.float32) * 0.05
    fc1_b = jax.random.normal(k4, (HID,), dtype=jnp.float32) * 0.05
    fc2_w = jax.random.normal(k5, (VOCAB, HID), dtype=jnp.float32) * 0.05
    fc2_b = jax.random.normal(k6, (VOCAB,), dtype=jnp.float32) * 0.05
    return {"x": x, "emb": emb, "fc1_w": fc1_w, "fc1_b": fc1_b, "fc2_w": fc2_w, "fc2_b": fc2_b}

def reference(x, emb, fc1_w, fc1_b, fc2_w, fc2_b):
    # nn.Embedding lookup -> gather rows of the table
    e = jnp.take(emb, x, axis=0)                 # [B, 2, EMB_DIM]
    h = e.reshape(e.shape[0], -1)                # [B, 2*EMB_DIM]
    h = h @ fc1_w.T + fc1_b                      # Linear(2*tz_size -> 8)
    h = jnp.tanh(h)
    out = h @ fc2_w.T + fc2_b                    # Linear(8 -> vocab)
    return out

if __name__ == "__main__":
    import jax
    _d = setup_inputs()
    print(jax.jit(kernel)(*tuple(_d.values())))

</pallas_src>

<mosaic_0001>
#map = affine_map<(d0, d1) -> (0, 0)>
module attributes {stable_mosaic.version = 14 : i64} {
  func.func @k(%arg0: i32, %arg1: i32, %arg2: memref<2000x8xf32, #tpu.memory_space<hbm>>, %arg3: memref<256x128xi32, #tpu.memory_space<hbm>>, %arg4: memref<16384x128xf32, #tpu.memory_space<hbm>>, %arg5: memref<8x128xi32, #tpu.memory_space<vmem>>, %arg6: memref<1024x8xf32, #tpu.memory_space<vmem>>, %arg7: memref<!tpu.dma_semaphore, #tpu.memory_space<semaphore_mem>>) attributes {dimension_semantics = [#tpu.dimension_semantics<core_parallel>, #tpu.dimension_semantics<subcore_parallel>], iteration_bounds = array<i64: 2, 16>, scalar_prefetch = 0 : i64, scratch_operands = 3 : i64, tpu.core_type = #tpu.core_type<sc_vector_subcore>, window_params = [{transform_indices = #map}, {transform_indices = #map}, {transform_indices = #map}]} {
    %mul3A = arith.constant 2 : i32
    %mul3A_0 = arith.muli %arg1, %mul3A : i32
    %add3A = arith.addi %mul3A_0, %arg0 : i32
    %mul3A_1 = arith.constant 8 : i32
    %mul3A_2 = arith.muli %add3A, %mul3A_1 : i32
    %lt3A = arith.constant 128 : i32
    %lt3A_3 = arith.cmpi slt, %mul3A_2, %lt3A : i32
    %jit3A = arith.constant 0 : i32
    %jit3A_4 = arith.constant 16 : i32
    %select_n3A = arith.select %lt3A_3, %jit3A, %jit3A_4 : i32
    %jit3A_5 = arith.constant 0 : i32
    %jit3A_6 = arith.constant 16384 : i32
    %select_n3A_7 = arith.select %lt3A_3, %jit3A_5, %jit3A_6 : i32
    "tpu.region"() ({
      %run_scoped3A = tpu.sem_alloc : memref<!tpu.dma_semaphore, #tpu.memory_space<semaphore_mem>>
      %dma_start3A_168 = arith.constant 0 : i32
      %dma_start3A_169 = tpu.memref_slice %arg3[%mul3A_2, %dma_start3A_168] : memref<256x128xi32, #tpu.memory_space<hbm>> -> memref<8x128xi32, #tpu.memory_space<hbm>>
      %dma_start3A_170 = arith.constant 0 : i32
      %dma_start3A_171 = tpu.memref_slice %arg3[%mul3A_2, %dma_start3A_170] : memref<256x128xi32, #tpu.memory_space<hbm>> -> memref<8x128xi32, #tpu.memory_space<hbm>>
      tpu.enqueue_dma source(%dma_start3A_171 : memref<8x128xi32, #tpu.memory_space<hbm>>) target(%arg5 : memref<8x128xi32, #tpu.memory_space<vmem>>) target_semaphore(%run_scoped3A : memref<!tpu.dma_semaphore, #tpu.memory_space<semaphore_mem>>)
      %dma_wait3A_172 = arith.constant 0 : i32
      %dma_wait3A_173 = tpu.memref_slice %arg3[%mul3A_2, %dma_wait3A_172] : memref<256x128xi32, #tpu.memory_space<hbm>> -> memref<8x128xi32, #tpu.memory_space<hbm>>
      %dma_wait3A_174 = arith.constant 0 : i32
      %dma_wait3A_175 = tpu.memref_slice %arg3[%mul3A_2, %dma_wait3A_174] : memref<256x128xi32, #tpu.memory_space<hbm>> -> memref<8x128xi32, #tpu.memory_space<hbm>>
      tpu.wait_dma2 semaphore(%run_scoped3A : memref<!tpu.dma_semaphore, #tpu.memory_space<semaphore_mem>>) src(%dma_wait3A_175 : memref<8x128xi32, #tpu.memory_space<hbm>>) dst(%arg5 : memref<8x128xi32, #tpu.memory_space<vmem>>)
      tpu.yield
    }) : () -> ()
    %dma_start3A = arith.constant 0 : i32
    %dma_start3A_8 = arith.constant 0 : i32
    %dma_start3A_9 = arith.constant 0 : i32
    %dma_start3A_10 = tpu.memref_slice %arg6[%dma_start3A_8, %dma_start3A_9] : memref<1024x8xf32, #tpu.memory_space<vmem>> -> memref<128x8xf32, #tpu.memory_space<vmem>>
    %dma_start3A_11 = arith.constant 0 : i32
    %dma_start3A_12 = tpu.memref_slice %arg5[%dma_start3A, %dma_start3A_11] : memref<8x128xi32, #tpu.memory_space<vmem>> -> memref<1x128xi32, #tpu.memory_space<vmem>>
    %dma_start3A_13 = tpu.memref_squeeze %dma_start3A_12 : memref<1x128xi32, #tpu.memory_space<vmem>> -> memref<128xi32, #tpu.memory_space<vmem>>
    %dma_start3A_14 = arith.constant 0 : i32
    %dma_start3A_15 = arith.constant 0 : i32
    %dma_start3A_16 = tpu.memref_slice %arg2[%dma_start3A_14, %dma_start3A_15] : memref<2000x8xf32, #tpu.memory_space<hbm>> -> memref<2000x8xf32, #tpu.memory_space<hbm>>
    tpu.enqueue_indirect_dma source(%dma_start3A_16 : memref<2000x8xf32, #tpu.memory_space<hbm>>) target(%dma_start3A_10 : memref<128x8xf32, #tpu.memory_space<vmem>>) offsets(%dma_start3A_13 : memref<128xi32, #tpu.memory_space<vmem>>) semaphore(%arg7 : memref<!tpu.dma_semaphore, #tpu.memory_space<semaphore_mem>>)
    %dma_start3A_17 = arith.constant 1 : i32
    %dma_start3A_18 = arith.constant 128 : i32
    %dma_start3A_19 = arith.constant 0 : i32
    %dma_start3A_20 = tpu.memref_slice %arg6[%dma_start3A_18, %dma_start3A_19] : memref<1024x8xf32, #tpu.memory_space<vmem>> -> memref<128x8xf32, #tpu.memory_space<vmem>>
    %dma_start3A_21 = arith.constant 0 : i32
    %dma_start3A_22 = tpu.memref_slice %arg5[%dma_start3A_17, %dma_start3A_21] : memref<8x128xi32, #tpu.memory_space<vmem>> -> memref<1x128xi32, #tpu.memory_space<vmem>>
    %dma_start3A_23 = tpu.memref_squeeze %dma_start3A_22 : memref<1x128xi32, #tpu.memory_space<vmem>> -> memref<128xi32, #tpu.memory_space<vmem>>
    %dma_start3A_24 = arith.constant 0 : i32
    %dma_start3A_25 = arith.constant 0 : i32
    %dma_start3A_26 = tpu.memref_slice %arg2[%dma_start3A_24, %dma_start3A_25] : memref<2000x8xf32, #tpu.memory_space<hbm>> -> memref<2000x8xf32, #tpu.memory_space<hbm>>
    tpu.enqueue_indirect_dma source(%dma_start3A_26 : memref<2000x8xf32, #tpu.memory_space<hbm>>) target(%dma_start3A_20 : memref<128x8xf32, #tpu.memory_space<vmem>>) offsets(%dma_start3A_23 : memref<128xi32, #tpu.memory_space<vmem>>) semaphore(%arg7 : memref<!tpu.dma_semaphore, #tpu.memory_space<semaphore_mem>>)
    %dma_start3A_27 = arith.constant 2 : i32
    %dma_start3A_28 = arith.constant 256 : i32
    %dma_start3A_29 = arith.constant 0 : i32
    %dma_start3A_30 = tpu.memref_slice %arg6[%dma_start3A_28, %dma_start3A_29] : memref<1024x8xf32, #tpu.memory_space<vmem>> -> memref<128x8xf32, #tpu.memory_space<vmem>>
    %dma_start3A_31 = arith.constant 0 : i32
    %dma_start3A_32 = tpu.memref_slice %arg5[%dma_start3A_27, %dma_start3A_31] : memref<8x128xi32, #tpu.memory_space<vmem>> -> memref<1x128xi32, #tpu.memory_space<vmem>>
    %dma_start3A_33 = tpu.memref_squeeze %dma_start3A_32 : memref<1x128xi32, #tpu.memory_space<vmem>> -> memref<128xi32, #tpu.memory_space<vmem>>
    %dma_start3A_34 = arith.constant 0 : i32
    %dma_start3A_35 = arith.constant 0 : i32
    %dma_start3A_36 = tpu.memref_slice %arg2[%dma_start3A_34, %dma_start3A_35] : memref<2000x8xf32, #tpu.memory_space<hbm>> -> memref<2000x8xf32, #tpu.memory_space<hbm>>
    tpu.enqueue_indirect_dma source(%dma_start3A_36 : memref<2000x8xf32, #tpu.memory_space<hbm>>) target(%dma_start3A_30 : memref<128x8xf32, #tpu.memory_space<vmem>>) offsets(%dma_start3A_33 : memref<128xi32, #tpu.memory_space<vmem>>) semaphore(%arg7 : memref<!tpu.dma_semaphore, #tpu.memory_space<semaphore_mem>>)
    %dma_start3A_37 = arith.constant 3 : i32
    %dma_start3A_38 = arith.constant 384 : i32
    %dma_start3A_39 = arith.constant 0 : i32
    %dma_start3A_40 = tpu.memref_slice %arg6[%dma_start3A_38, %dma_start3A_39] : memref<1024x8xf32, #tpu.memory_space<vmem>> -> memref<128x8xf32, #tpu.memory_space<vmem>>
    %dma_start3A_41 = arith.constant 0 : i32
    %dma_start3A_42 = tpu.memref_slice %arg5[%dma_start3A_37, %dma_start3A_41] : memref<8x128xi32, #tpu.memory_space<vmem>> -> memref<1x128xi32, #tpu.memory_space<vmem>>
    %dma_start3A_43 = tpu.memref_squeeze %dma_start3A_42 : memref<1x128xi32, #tpu.memory_space<vmem>> -> memref<128xi32, #tpu.memory_space<vmem>>
    %dma_start3A_44 = arith.constant 0 : i32
    %dma_start3A_45 = arith.constant 0 : i32
    %dma_start3A_46 = tpu.memref_slice %arg2[%dma_start3A_44, %dma_start3A_45] : memref<2000x8xf32, #tpu.memory_space<hbm>> -> memref<2000x8xf32, #tpu.memory_space<hbm>>
    tpu.enqueue_indirect_dma source(%dma_start3A_46 : memref<2000x8xf32, #tpu.memory_space<hbm>>) target(%dma_start3A_40 : memref<128x8xf32, #tpu.memory_space<vmem>>) offsets(%dma_start3A_43 : memref<128xi32, #tpu.memory_space<vmem>>) semaphore(%arg7 : memref<!tpu.dma_semaphore, #tpu.memory_space<semaphore_mem>>)
    %dma_start3A_47 = arith.constant 4 : i32
    %dma_start3A_48 = arith.constant 512 : i32
    %dma_start3A_49 = arith.constant 0 : i32
    %dma_start3A_50 = tpu.memref_slice %arg6[%dma_start3A_48, %dma_start3A_49] : memref<1024x8xf32, #tpu.memory_space<vmem>> -> memref<128x8xf32, #tpu.memory_space<vmem>>
    %dma_start3A_51 = arith.constant 0 : i32
    %dma_start3A_52 = tpu.memref_slice %arg5[%dma_start3A_47, %dma_start3A_51] : memref<8x128xi32, #tpu.memory_space<vmem>> -> memref<1x128xi32, #tpu.memory_space<vmem>>
    %dma_start3A_53 = tpu.memref_squeeze %dma_start3A_52 : memref<1x128xi32, #tpu.memory_space<vmem>> -> memref<128xi32, #tpu.memory_space<vmem>>
    %dma_start3A_54 = arith.constant 0 : i32
    %dma_start3A_55 = arith.constant 0 : i32
    %dma_start3A_56 = tpu.memref_slice %arg2[%dma_start3A_54, %dma_start3A_55] : memref<2000x8xf32, #tpu.memory_space<hbm>> -> memref<2000x8xf32, #tpu.memory_space<hbm>>
    tpu.enqueue_indirect_dma source(%dma_start3A_56 : memref<2000x8xf32, #tpu.memory_space<hbm>>) target(%dma_start3A_50 : memref<128x8xf32, #tpu.memory_space<vmem>>) offsets(%dma_start3A_53 : memref<128xi32, #tpu.memory_space<vmem>>) semaphore(%arg7 : memref<!tpu.dma_semaphore, #tpu.memory_space<semaphore_mem>>)
    %dma_start3A_57 = arith.constant 5 : i32
    %dma_start3A_58 = arith.constant 640 : i32
    %dma_start3A_59 = arith.constant 0 : i32
    %dma_start3A_60 = tpu.memref_slice %arg6[%dma_start3A_58, %dma_start3A_59] : memref<1024x8xf32, #tpu.memory_space<vmem>> -> memref<128x8xf32, #tpu.memory_space<vmem>>
    %dma_start3A_61 = arith.constant 0 : i32
    %dma_start3A_62 = tpu.memref_slice %arg5[%dma_start3A_57, %dma_start3A_61] : memref<8x128xi32, #tpu.memory_space<vmem>> -> memref<1x128xi32, #tpu.memory_space<vmem>>
    %dma_start3A_63 = tpu.memref_squeeze %dma_start3A_62 : memref<1x128xi32, #tpu.memory_space<vmem>> -> memref<128xi32, #tpu.memory_space<vmem>>
    %dma_start3A_64 = arith.constant 0 : i32
    %dma_start3A_65 = arith.constant 0 : i32
    %dma_start3A_66 = tpu.memref_slice %arg2[%dma_start3A_64, %dma_start3A_65] : memref<2000x8xf32, #tpu.memory_space<hbm>> -> memref<2000x8xf32, #tpu.memory_space<hbm>>
    tpu.enqueue_indirect_dma source(%dma_start3A_66 : memref<2000x8xf32, #tpu.memory_space<hbm>>) target(%dma_start3A_60 : memref<128x8xf32, #tpu.memory_space<vmem>>) offsets(%dma_start3A_63 : memref<128xi32, #tpu.memory_space<vmem>>) semaphore(%arg7 : memref<!tpu.dma_semaphore, #tpu.memory_space<semaphore_mem>>)
    %dma_start3A_67 = arith.constant 6 : i32
    %dma_start3A_68 = arith.constant 768 : i32
    %dma_start3A_69 = arith.constant 0 : i32
    %dma_start3A_70 = tpu.memref_slice %arg6[%dma_start3A_68, %dma_start3A_69] : memref<1024x8xf32, #tpu.memory_space<vmem>> -> memref<128x8xf32, #tpu.memory_space<vmem>>
    %dma_start3A_71 = arith.constant 0 : i32
    %dma_start3A_72 = tpu.memref_slice %arg5[%dma_start3A_67, %dma_start3A_71] : memref<8x128xi32, #tpu.memory_space<vmem>> -> memref<1x128xi32, #tpu.memory_space<vmem>>
    %dma_start3A_73 = tpu.memref_squeeze %dma_start3A_72 : memref<1x128xi32, #tpu.memory_space<vmem>> -> memref<128xi32, #tpu.memory_space<vmem>>
    %dma_start3A_74 = arith.constant 0 : i32
    %dma_start3A_75 = arith.constant 0 : i32
    %dma_start3A_76 = tpu.memref_slice %arg2[%dma_start3A_74, %dma_start3A_75] : memref<2000x8xf32, #tpu.memory_space<hbm>> -> memref<2000x8xf32, #tpu.memory_space<hbm>>
    tpu.enqueue_indirect_dma source(%dma_start3A_76 : memref<2000x8xf32, #tpu.memory_space<hbm>>) target(%dma_start3A_70 : memref<128x8xf32, #tpu.memory_space<vmem>>) offsets(%dma_start3A_73 : memref<128xi32, #tpu.memory_space<vmem>>) semaphore(%arg7 : memref<!tpu.dma_semaphore, #tpu.memory_space<semaphore_mem>>)
    %dma_start3A_77 = arith.constant 7 : i32
    %dma_start3A_78 = arith.constant 896 : i32
    %dma_start3A_79 = arith.constant 0 : i32
    %dma_start3A_80 = tpu.memref_slice %arg6[%dma_start3A_78, %dma_start3A_79] : memref<1024x8xf32, #tpu.memory_space<vmem>> -> memref<128x8xf32, #tpu.memory_space<vmem>>
    %dma_start3A_81 = arith.constant 0 : i32
    %dma_start3A_82 = tpu.memref_slice %arg5[%dma_start3A_77, %dma_start3A_81] : memref<8x128xi32, #tpu.memory_space<vmem>> -> memref<1x128xi32, #tpu.memory_space<vmem>>
    %dma_start3A_83 = tpu.memref_squeeze %dma_start3A_82 : memref<1x128xi32, #tpu.memory_space<vmem>> -> memref<128xi32, #tpu.memory_space<vmem>>
    %dma_start3A_84 = arith.constant 0 : i32
    %dma_start3A_85 = arith.constant 0 : i32
    %dma_start3A_86 = tpu.memref_slice %arg2[%dma_start3A_84, %dma_start3A_85] : memref<2000x8xf32, #tpu.memory_space<hbm>> -> memref<2000x8xf32, #tpu.memory_space<hbm>>
    tpu.enqueue_indirect_dma source(%dma_start3A_86 : memref<2000x8xf32, #tpu.memory_space<hbm>>) target(%dma_start3A_80 : memref<128x8xf32, #tpu.memory_space<vmem>>) offsets(%dma_start3A_83 : memref<128xi32, #tpu.memory_space<vmem>>) semaphore(%arg7 : memref<!tpu.dma_semaphore, #tpu.memory_space<semaphore_mem>>)
    %dma_wait3A = arith.constant 0 : i32
    %dma_wait3A_87 = arith.constant 0 : i32
    %dma_wait3A_88 = arith.constant 0 : i32
    %dma_wait3A_89 = tpu.memref_slice %arg6[%dma_wait3A_87, %dma_wait3A_88] : memref<1024x8xf32, #tpu.memory_space<vmem>> -> memref<128x8xf32, #tpu.memory_space<vmem>>
    %dma_wait3A_90 = arith.constant 0 : i32
    %dma_wait3A_91 = tpu.memref_slice %arg5[%dma_wait3A, %dma_wait3A_90] : memref<8x128xi32, #tpu.memory_space<vmem>> -> memref<1x128xi32, #tpu.memory_space<vmem>>
    %dma_wait3A_92 = tpu.memref_squeeze %dma_wait3A_91 : memref<1x128xi32, #tpu.memory_space<vmem>> -> memref<128xi32, #tpu.memory_space<vmem>>
    %dma_wait3A_93 = arith.constant 0 : i32
    %dma_wait3A_94 = arith.constant 0 : i32
    %dma_wait3A_95 = tpu.memref_slice %arg2[%dma_wait3A_93, %dma_wait3A_94] : memref<2000x8xf32, #tpu.memory_space<hbm>> -> memref<2000x8xf32, #tpu.memory_space<hbm>>
    tpu.wait_indirect_dma semaphore(%arg7 : memref<!tpu.dma_semaphore, #tpu.memory_space<semaphore_mem>>) src(%dma_wait3A_95 : memref<2000x8xf32, #tpu.memory_space<hbm>>) dst(%dma_wait3A_89 : memref<128x8xf32, #tpu.memory_space<vmem>>)
    %dma_wait3A_96 = arith.constant 1 : i32
    %dma_wait3A_97 = arith.constant 128 : i32
    %dma_wait3A_98 = arith.constant 0 : i32
    %dma_wait3A_99 = tpu.memref_slice %arg6[%dma_wait3A_97, %dma_wait3A_98] : memref<1024x8xf32, #tpu.memory_space<vmem>> -> memref<128x8xf32, #tpu.memory_space<vmem>>
    %dma_wait3A_100 = arith.constant 0 : i32
    %dma_wait3A_101 = tpu.memref_slice %arg5[%dma_wait3A_96, %dma_wait3A_100] : memref<8x128xi32, #tpu.memory_space<vmem>> -> memref<1x128xi32, #tpu.memory_space<vmem>>
    %dma_wait3A_102 = tpu.memref_squeeze %dma_wait3A_101 : memref<1x128xi32, #tpu.memory_space<vmem>> -> memref<128xi32, #tpu.memory_space<vmem>>
    %dma_wait3A_103 = arith.constant 0 : i32
    %dma_wait3A_104 = arith.constant 0 : i32
    %dma_wait3A_105 = tpu.memref_slice %arg2[%dma_wait3A_103, %dma_wait3A_104] : memref<2000x8xf32, #tpu.memory_space<hbm>> -> memref<2000x8xf32, #tpu.memory_space<hbm>>
    tpu.wait_indirect_dma semaphore(%arg7 : memref<!tpu.dma_semaphore, #tpu.memory_space<semaphore_mem>>) src(%dma_wait3A_105 : memref<2000x8xf32, #tpu.memory_space<hbm>>) dst(%dma_wait3A_99 : memref<128x8xf32, #tpu.memory_space<vmem>>)
    %dma_wait3A_106 = arith.constant 2 : i32
    %dma_wait3A_107 = arith.constant 256 : i32
    %dma_wait3A_108 = arith.constant 0 : i32
    %dma_wait3A_109 = tpu.memref_slice %arg6[%dma_wait3A_107, %dma_wait3A_108] : memref<1024x8xf32, #tpu.memory_space<vmem>> -> memref<128x8xf32, #tpu.memory_space<vmem>>
    %dma_wait3A_110 = arith.constant 0 : i32
    %dma_wait3A_111 = tpu.memref_slice %arg5[%dma_wait3A_106, %dma_wait3A_110] : memref<8x128xi32, #tpu.memory_space<vmem>> -> memref<1x128xi32, #tpu.memory_space<vmem>>
    %dma_wait3A_112 = tpu.memref_squeeze %dma_wait3A_111 : memref<1x128xi32, #tpu.memory_space<vmem>> -> memref<128xi32, #tpu.memory_space<vmem>>
    %dma_wait3A_113 = arith.constant 0 : i32
    %dma_wait3A_114 = arith.constant 0 : i32
    %dma_wait3A_115 = tpu.memref_slice %arg2[%dma_wait3A_113, %dma_wait3A_114] : memref<2000x8xf32, #tpu.memory_space<hbm>> -> memref<2000x8xf32, #tpu.memory_space<hbm>>
    tpu.wait_indirect_dma semaphore(%arg7 : memref<!tpu.dma_semaphore, #tpu.memory_space<semaphore_mem>>) src(%dma_wait3A_115 : memref<2000x8xf32, #tpu.memory_space<hbm>>) dst(%dma_wait3A_109 : memref<128x8xf32, #tpu.memory_space<vmem>>)
    %dma_wait3A_116 = arith.constant 3 : i32
    %dma_wait3A_117 = arith.constant 384 : i32
    %dma_wait3A_118 = arith.constant 0 : i32
    %dma_wait3A_119 = tpu.memref_slice %arg6[%dma_wait3A_117, %dma_wait3A_118] : memref<1024x8xf32, #tpu.memory_space<vmem>> -> memref<128x8xf32, #tpu.memory_space<vmem>>
    %dma_wait3A_120 = arith.constant 0 : i32
    %dma_wait3A_121 = tpu.memref_slice %arg5[%dma_wait3A_116, %dma_wait3A_120] : memref<8x128xi32, #tpu.memory_space<vmem>> -> memref<1x128xi32, #tpu.memory_space<vmem>>
    %dma_wait3A_122 = tpu.memref_squeeze %dma_wait3A_121 : memref<1x128xi32, #tpu.memory_space<vmem>> -> memref<128xi32, #tpu.memory_space<vmem>>
    %dma_wait3A_123 = arith.constant 0 : i32
    %dma_wait3A_124 = arith.constant 0 : i32
    %dma_wait3A_125 = tpu.memref_slice %arg2[%dma_wait3A_123, %dma_wait3A_124] : memref<2000x8xf32, #tpu.memory_space<hbm>> -> memref<2000x8xf32, #tpu.memory_space<hbm>>
    tpu.wait_indirect_dma semaphore(%arg7 : memref<!tpu.dma_semaphore, #tpu.memory_space<semaphore_mem>>) src(%dma_wait3A_125 : memref<2000x8xf32, #tpu.memory_space<hbm>>) dst(%dma_wait3A_119 : memref<128x8xf32, #tpu.memory_space<vmem>>)
    %dma_wait3A_126 = arith.constant 4 : i32
    %dma_wait3A_127 = arith.constant 512 : i32
    %dma_wait3A_128 = arith.constant 0 : i32
    %dma_wait3A_129 = tpu.memref_slice %arg6[%dma_wait3A_127, %dma_wait3A_128] : memref<1024x8xf32, #tpu.memory_space<vmem>> -> memref<128x8xf32, #tpu.memory_space<vmem>>
    %dma_wait3A_130 = arith.constant 0 : i32
    %dma_wait3A_131 = tpu.memref_slice %arg5[%dma_wait3A_126, %dma_wait3A_130] : memref<8x128xi32, #tpu.memory_space<vmem>> -> memref<1x128xi32, #tpu.memory_space<vmem>>
    %dma_wait3A_132 = tpu.memref_squeeze %dma_wait3A_131 : memref<1x128xi32, #tpu.memory_space<vmem>> -> memref<128xi32, #tpu.memory_space<vmem>>
    %dma_wait3A_133 = arith.constant 0 : i32
    %dma_wait3A_134 = arith.constant 0 : i32
    %dma_wait3A_135 = tpu.memref_slice %arg2[%dma_wait3A_133, %dma_wait3A_134] : memref<2000x8xf32, #tpu.memory_space<hbm>> -> memref<2000x8xf32, #tpu.memory_space<hbm>>
    tpu.wait_indirect_dma semaphore(%arg7 : memref<!tpu.dma_semaphore, #tpu.memory_space<semaphore_mem>>) src(%dma_wait3A_135 : memref<2000x8xf32, #tpu.memory_space<hbm>>) dst(%dma_wait3A_129 : memref<128x8xf32, #tpu.memory_space<vmem>>)
    %dma_wait3A_136 = arith.constant 5 : i32
    %dma_wait3A_137 = arith.constant 640 : i32
    %dma_wait3A_138 = arith.constant 0 : i32
    %dma_wait3A_139 = tpu.memref_slice %arg6[%dma_wait3A_137, %dma_wait3A_138] : memref<1024x8xf32, #tpu.memory_space<vmem>> -> memref<128x8xf32, #tpu.memory_space<vmem>>
    %dma_wait3A_140 = arith.constant 0 : i32
    %dma_wait3A_141 = tpu.memref_slice %arg5[%dma_wait3A_136, %dma_wait3A_140] : memref<8x128xi32, #tpu.memory_space<vmem>> -> memref<1x128xi32, #tpu.memory_space<vmem>>
    %dma_wait3A_142 = tpu.memref_squeeze %dma_wait3A_141 : memref<1x128xi32, #tpu.memory_space<vmem>> -> memref<128xi32, #tpu.memory_space<vmem>>
    %dma_wait3A_143 = arith.constant 0 : i32
    %dma_wait3A_144 = arith.constant 0 : i32
    %dma_wait3A_145 = tpu.memref_slice %arg2[%dma_wait3A_143, %dma_wait3A_144] : memref<2000x8xf32, #tpu.memory_space<hbm>> -> memref<2000x8xf32, #tpu.memory_space<hbm>>
    tpu.wait_indirect_dma semaphore(%arg7 : memref<!tpu.dma_semaphore, #tpu.memory_space<semaphore_mem>>) src(%dma_wait3A_145 : memref<2000x8xf32, #tpu.memory_space<hbm>>) dst(%dma_wait3A_139 : memref<128x8xf32, #tpu.memory_space<vmem>>)
    %dma_wait3A_146 = arith.constant 6 : i32
    %dma_wait3A_147 = arith.constant 768 : i32
    %dma_wait3A_148 = arith.constant 0 : i32
    %dma_wait3A_149 = tpu.memref_slice %arg6[%dma_wait3A_147, %dma_wait3A_148] : memref<1024x8xf32, #tpu.memory_space<vmem>> -> memref<128x8xf32, #tpu.memory_space<vmem>>
    %dma_wait3A_150 = arith.constant 0 : i32
    %dma_wait3A_151 = tpu.memref_slice %arg5[%dma_wait3A_146, %dma_wait3A_150] : memref<8x128xi32, #tpu.memory_space<vmem>> -> memref<1x128xi32, #tpu.memory_space<vmem>>
    %dma_wait3A_152 = tpu.memref_squeeze %dma_wait3A_151 : memref<1x128xi32, #tpu.memory_space<vmem>> -> memref<128xi32, #tpu.memory_space<vmem>>
    %dma_wait3A_153 = arith.constant 0 : i32
    %dma_wait3A_154 = arith.constant 0 : i32
    %dma_wait3A_155 = tpu.memref_slice %arg2[%dma_wait3A_153, %dma_wait3A_154] : memref<2000x8xf32, #tpu.memory_space<hbm>> -> memref<2000x8xf32, #tpu.memory_space<hbm>>
    tpu.wait_indirect_dma semaphore(%arg7 : memref<!tpu.dma_semaphore, #tpu.memory_space<semaphore_mem>>) src(%dma_wait3A_155 : memref<2000x8xf32, #tpu.memory_space<hbm>>) dst(%dma_wait3A_149 : memref<128x8xf32, #tpu.memory_space<vmem>>)
    %dma_wait3A_156 = arith.constant 7 : i32
    %dma_wait3A_157 = arith.constant 896 : i32
    %dma_wait3A_158 = arith.constant 0 : i32
    %dma_wait3A_159 = tpu.memref_slice %arg6[%dma_wait3A_157, %dma_wait3A_158] : memref<1024x8xf32, #tpu.memory_space<vmem>> -> memref<128x8xf32, #tpu.memory_space<vmem>>
    %dma_wait3A_160 = arith.constant 0 : i32
    %dma_wait3A_161 = tpu.memref_slice %arg5[%dma_wait3A_156, %dma_wait3A_160] : memref<8x128xi32, #tpu.memory_space<vmem>> -> memref<1x128xi32, #tpu.memory_space<vmem>>
    %dma_wait3A_162 = tpu.memref_squeeze %dma_wait3A_161 : memref<1x128xi32, #tpu.memory_space<vmem>> -> memref<128xi32, #tpu.memory_space<vmem>>
    %dma_wait3A_163 = arith.constant 0 : i32
    %dma_wait3A_164 = arith.constant 0 : i32
    %dma_wait3A_165 = tpu.memref_slice %arg2[%dma_wait3A_163, %dma_wait3A_164] : memref<2000x8xf32, #tpu.memory_space<hbm>> -> memref<2000x8xf32, #tpu.memory_space<hbm>>
    tpu.wait_indirect_dma semaphore(%arg7 : memref<!tpu.dma_semaphore, #tpu.memory_space<semaphore_mem>>) src(%dma_wait3A_165 : memref<2000x8xf32, #tpu.memory_space<hbm>>) dst(%dma_wait3A_159 : memref<128x8xf32, #tpu.memory_space<vmem>>)
    %mul3A_166 = arith.constant 128 : i32
    %mul3A_167 = arith.muli %mul3A_2, %mul3A_166 : i32
    %sub3A = arith.subi %mul3A_167, %select_n3A_7 : i32
    "tpu.region"() ({
      %run_scoped3A = tpu.sem_alloc : memref<!tpu.dma_semaphore, #tpu.memory_space<semaphore_mem>>
      %dma_start3A_168 = tpu.memref_slice %arg4[%sub3A, %select_n3A] : memref<16384x128xf32, #tpu.memory_space<hbm>> -> memref<1024x8xf32, #tpu.memory_space<hbm>>
      %dma_start3A_169 = tpu.memref_slice %arg4[%sub3A, %select_n3A] : memref<16384x128xf32, #tpu.memory_space<hbm>> -> memref<1024x8xf32, #tpu.memory_space<hbm>>
      tpu.enqueue_dma source(%arg6 : memref<1024x8xf32, #tpu.memory_space<vmem>>) target(%dma_start3A_169 : memref<1024x8xf32, #tpu.memory_space<hbm>>) target_semaphore(%run_scoped3A : memref<!tpu.dma_semaphore, #tpu.memory_space<semaphore_mem>>)
      %dma_wait3A_170 = tpu.memref_slice %arg4[%sub3A, %select_n3A] : memref<16384x128xf32, #tpu.memory_space<hbm>> -> memref<1024x8xf32, #tpu.memory_space<hbm>>
      %dma_wait3A_171 = tpu.memref_slice %arg4[%sub3A, %select_n3A] : memref<16384x128xf32, #tpu.memory_space<hbm>> -> memref<1024x8xf32, #tpu.memory_space<hbm>>
      tpu.wait_dma2 semaphore(%run_scoped3A : memref<!tpu.dma_semaphore, #tpu.memory_space<semaphore_mem>>) src(%arg6 : memref<1024x8xf32, #tpu.memory_space<vmem>>) dst(%dma_wait3A_171 : memref<1024x8xf32, #tpu.memory_space<hbm>>)
      tpu.yield
    }) : () -> ()
    return
  }
}

module attributes {stable_mosaic.version = 14 : i64} {
  func.func @_tables_body(%arg0: memref<1000x128xf32, #tpu.memory_space<vmem>>, %arg1: memref<8x256xf32, #tpu.memory_space<vmem>>, %arg2: memref<2000x8xf32, #tpu.memory_space<vmem>>) attributes {dimension_semantics = [], scalar_prefetch = 0 : i64, scratch_operands = 0 : i64, tpu.core_type = #tpu.core_type<tc>} {
    %get3A = arith.constant 0 : index
    %get3A_0 = arith.constant 0 : index
    %get3A_1 = vector.load %arg0[%get3A, %get3A_0] : memref<1000x128xf32, #tpu.memory_space<vmem>>, vector<1000x128xf32>
    %get3A_2 = arith.constant 0 : index
    %get3A_3 = arith.constant 0 : index
    %get3A_4 = vector.load %arg1[%get3A_2, %get3A_3] : memref<8x256xf32, #tpu.memory_space<vmem>>, vector<8x128xf32>
    %get3A_5 = arith.constant 0 : index
    %get3A_6 = arith.constant 128 : index
    %get3A_7 = vector.load %arg1[%get3A_5, %get3A_6] : memref<8x256xf32, #tpu.memory_space<vmem>>, vector<8x128xf32>
    %dot_general3A = arith.constant dense<0.000000e+00> : vector<1000x8xf32>
    %dot_general3A_8 = tpu.matmul %get3A_1, %get3A_4, %dot_general3A {dimension_numbers = #tpu.dot_dimension_numbers<[1], [1], [0], [0], [0, 0, 1, 0], [], []>, transpose_lhs_hint = false} : vector<1000x128xf32>, vector<8x128xf32>, vector<1000x8xf32> -> vector<1000x8xf32>
    %swap3A = arith.constant 0 : index
    %swap3A_9 = arith.constant 0 : index
    %swap3A_10 = vector.load %arg2[%swap3A, %swap3A_9] : memref<2000x8xf32, #tpu.memory_space<vmem>>, vector<1000x8xf32>
    tpu.vector_store %arg2[%swap3A, %swap3A_9], %dot_general3A_8 {strides = array<i32>} : memref<2000x8xf32, #tpu.memory_space<vmem>>, vector<1000x8xf32>,
    %dot_general3A_11 = arith.constant dense<0.000000e+00> : vector<1000x8xf32>
    %dot_general3A_12 = tpu.matmul %get3A_1, %get3A_7, %dot_general3A_11 {dimension_numbers = #tpu.dot_dimension_numbers<[1], [1], [0], [0], [0, 0, 1, 0], [], []>, transpose_lhs_hint = false} : vector<1000x128xf32>, vector<8x128xf32>, vector<1000x8xf32> -> vector<1000x8xf32>
    %swap3A_13 = arith.constant 1000 : index
    %swap3A_14 = arith.constant 0 : index
    %swap3A_15 = vector.load %arg2[%swap3A_13, %swap3A_14] : memref<2000x8xf32, #tpu.memory_space<vmem>>, vector<1000x8xf32>
    tpu.vector_store %arg2[%swap3A_13, %swap3A_14], %dot_general3A_12 {strides = array<i32>} : memref<2000x8xf32, #tpu.memory_space<vmem>>, vector<1000x8xf32>,
    return
  }
}

module attributes {stable_mosaic.version = 14 : i64} {
  func.func @_mlp_body(%arg0: i32, %arg1: memref<2048x128xf32, #tpu.memory_space<vmem>>, %arg2: memref<1x128xf32, #tpu.memory_space<vmem>>, %arg3: memref<128x1000xf32, #tpu.memory_space<vmem>>, %arg4: memref<1000x2048xf32, #tpu.memory_space<vmem>>) attributes {dimension_semantics = [#tpu.dimension_semantics<arbitrary>], iteration_bounds = array<i64: 8>, scalar_prefetch = 0 : i64, scratch_operands = 0 : i64, tpu.core_type = #tpu.core_type<tc>, window_params = [{transform_indices = @transform_0, window_bounds = array<i64: 2048, 128>}, {pipeline_mode = #tpu.pipeline_mode<synchronous>, transform_indices = @transform_1, window_bounds = array<i64: 1, 128>}, {pipeline_mode = #tpu.pipeline_mode<synchronous>, transform_indices = @transform_2, window_bounds = array<i64: 128, 1000>}, {transform_indices = @transform_3, window_bounds = array<i64: 1000, 2048>}]} {
    %get3A = arith.constant 0 : index
    %get3A_0 = arith.constant 0 : index
    %get3A_1 = vector.load %arg1[%get3A, %get3A_0] : memref<2048x128xf32, #tpu.memory_space<vmem>>, vector<2048x128xf32>
    %roll3A = arith.constant 112 : i32
    %roll3A_2 = tpu.dynamic_rotate %get3A_1 by %roll3A dim 1 : vector<2048x128xf32>, i32 -> vector<2048x128xf32>
    %add3A = arith.addf %get3A_1, %roll3A_2 : vector<2048x128xf32>
    %get3A_3 = arith.constant 0 : index
    %get3A_4 = arith.constant 0 : index
    %get3A_5 = vector.load %arg2[%get3A_3, %get3A_4] : memref<1x128xf32, #tpu.memory_space<vmem>>, vector<1x128xf32>
    %add3A_6 = vector.broadcast %get3A_5 : vector<1x128xf32> to vector<2048x128xf32>
    %add3A_7 = arith.addf %add3A, %add3A_6 : vector<2048x128xf32>
    %tanh3A = math.tanh %add3A_7 : vector<2048x128xf32>
    %iota3A = tpu.iota {dimensions = array<i32: 1>} : vector<2048x128xi32>
    %lt3A = arith.constant 8 : i32
    %lt3A_8 = vector.broadcast %lt3A : i32 to vector<2048x128xi32>
    %lt3A_9 = arith.cmpi slt, %iota3A, %lt3A_8 : vector<2048x128xi32>
    %eq3A = arith.constant 8 : i32
    %eq3A_10 = vector.broadcast %eq3A : i32 to vector<2048x128xi32>
    %eq3A_11 = arith.cmpi eq, %iota3A, %eq3A_10 : vector<2048x128xi32>
    %jit3A = arith.constant 1.000000e+00 : f32
    %jit3A_12 = arith.constant 0.000000e+00 : f32
    %broadcast_in_dim3A = vector.broadcast %jit3A : f32 to vector<2048x128xf32>
    %broadcast_in_dim3A_13 = vector.broadcast %jit3A_12 : f32 to vector<2048x128xf32>
    %select_n3A = arith.select %eq3A_11, %broadcast_in_dim3A, %broadcast_in_dim3A_13 : vector<2048x128xi1>, vector<2048x128xf32>
    %select_n3A_14 = arith.select %lt3A_9, %tanh3A, %select_n3A : vector<2048x128xi1>, vector<2048x128xf32>
    %get3A_15 = arith.constant 0 : index
    %get3A_16 = arith.constant 0 : index
    %get3A_17 = vector.load %arg3[%get3A_15, %get3A_16] : memref<128x1000xf32, #tpu.memory_space<vmem>>, vector<128x1000xf32>
    %dot_general3A = arith.constant dense<0.000000e+00> : vector<1000x2048xf32>
    %dot_general3A_18 = tpu.matmul %get3A_17, %select_n3A_14, %dot_general3A {dimension_numbers = #tpu.dot_dimension_numbers<[0], [1], [1], [0], [0, 1, 1, 0], [], []>, transpose_lhs_hint = false} : vector<128x1000xf32>, vector<2048x128xf32>, vector<1000x2048xf32> -> vector<1000x2048xf32>
    %swap3A = arith.constant 0 : index
    %swap3A_19 = arith.constant 0 : index
    %swap3A_20 = vector.load %arg4[%swap3A, %swap3A_19] : memref<1000x2048xf32, #tpu.memory_space<vmem>>, vector<1000x2048xf32>
    tpu.vector_store %arg4[%swap3A, %swap3A_19], %dot_general3A_18 {strides = array<i32>} : memref<1000x2048xf32, #tpu.memory_space<vmem>>, vector<1000x2048xf32>,
    return
  }
  func.func @transform_0(%arg0: i32) -> (i32, i32) {
    %c0_i32 = arith.constant 0 : i32
    %c0_i32_0 = arith.constant 0 : i32
    return %arg0, %c0_i32 : i32, i32
  }
  func.func @transform_1(%arg0: i32) -> (i32, i32) {
    %c0_i32 = arith.constant 0 : i32
    %c0_i32_0 = arith.constant 0 : i32
    %c0_i32_1 = arith.constant 0 : i32
    return %c0_i32, %c0_i32_0 : i32, i32
  }
  func.func @transform_2(%arg0: i32) -> (i32, i32) {
    %c0_i32 = arith.constant 0 : i32
    %c0_i32_0 = arith.constant 0 : i32
    %c0_i32_1 = arith.constant 0 : i32
    return %c0_i32, %c0_i32_0 : i32, i32
  }
  func.func @transform_3(%arg0: i32) -> (i32, i32) {
    %c0_i32 = arith.constant 0 : i32
    %c0_i32_0 = arith.constant 0 : i32
    return %c0_i32, %arg0 : i32, i32
  }
}

</mosaic_0001>

<sc_bundles>
// kernel: kernel.5.cloned.1.call-start
scs
__scs_entry_jumppad:
0x0: {  	(pc) =	sbr.rel $0x88, $3  }
0x1: {  	(tag) =	ssettag $0x0;
	lr =	simm.s32 $0x1  }
0x2: {  	[smem:$0x3F9B] =	sst lr;
	_ =	strace $0xD0000000  }
0x3: {  	_ = 	snop  }
0x4: {  	_ = 	snop  }
0x5: {  	_ = 	snop  }
0x6: {  	_ = 	snop  }
0x7: {  	_ = 	snop  }
__scs_overlays_trampoline_lowered:
0x8: {  	[smem:$0x3FAA] =	sst s0  }
0x9: {  	[smem:$0x3FAB] =	sst s1  }
0xa: {  	[smem:$0x3FAC] =	sst s2  }
0xb: {  	[smem:$0x3FAD] =	sst s3  }
0xc: {  	[smem:$0x3FAE] =	sst s4  }
0xd: {  	[smem:$0x3FAF] =	sst s5  }
0xe: {  	[smem:$0x3FB0] =	sst s6  }
0xf: {  	[smem:$0x3FB1] =	sst s7  }
0x10: {  	[smem:$0x3FB2] =	sst s8  }
0x11: {  	[smem:$0x3FB3] =	sst s9;
	s0 =	simm.s32 @!p0 $0x0  }
0x12: {  	s1 =	sld [smem:$0x3F99];
	s0 =	simm.s32 @p0 $0x1  }
0x13: {  	[smem:$0x3FB4] =	sst s0;
	s0 =	simm.s32 @!p1 $0x0  }
0x14: {  	s2 =	sld [smem:$0x3F98];
	s0 =	simm.s32 @p1 $0x1  }
0x15: {  	[smem:$0x3FB5] =	sst s0;
	s0 =	simm.s32 @!p2 $0x0  }
0x16: {  	s3 =	sld [smem:$0x3FDB];
	s0 =	simm.s32 @p2 $0x1  }
0x17: {  	s4 =	simm.s32 $0x1BF5;
	[smem:$0x3FB7] =	sst s0  }
0x18: {  	s0 =	sld [smem:$0x3F9A];
	_ =	swait.ge [sflag:s4], $0x0  }
0x19: {  	s7 =	sld [smem:$0x3F9B]  }
0x1a: {  	s8 =	sadd.s32 $0xFFFFE003, lr  }
0x1b: {  	s9 =	sadd.s32 $0xFFFFFEF7, lr;
	s5 =	simm.s32 $0xFFFFFFFF;
	p2 =	slt.u32 s8, $0xFFFFF086  }
0x1c: {  	p1 =	slt.u32 s9, $0xF7A;
	s5 =	simm.s32 @!p2 $0x0  }
0x1d: {  	s5 =	simm.s32 @p1 $0x1;
	p0 =	seq.s32 s7, s2  }
0x1e: {  	s7 =	smul.u32 @!p0 $0xF7A, s2;
	p2 =	seq.s32 @!p0 s5, $0x0  }
0x1f: {  	s9 =	smul.u32 $0xF7A, s1;
	s8 =	simm.s32 @!p0 $0x1BF5;
	p2 =	por !p2, p0  }
0x20: {  	[sflag:s8] =	ssyncset.s32 @!p0 $0xFFFFF086;
	s6 =	sadd.s32 @!p0 s3, s7;
	s7 =	simm.s32 @!p0 $0x108  }
0x21: {  	s3 =	sadd.s32 s3, s9;
	s6 =	sadd.s32 @!p0 $0x88, s6;
	s7 =	simm.s32 @p2 $0x1082  }
0x22: {  	[simem:s7], [sflag:s8] =	dma.local @!p0 [hbm:s6], $0xF7A  }
0x23: {  	s9 =	sor.u32 $0xD0000000, s2;
	s6 =	simm.s32 $0x108;
	_ =	swait.ge @!p0 [sflag:s8], $0x0  }
0x24: {  	s3 =	sadd.s32 $0x88, s3;
	s6 =	simm.s32 @!p1 $0x1082;
	[sflag:s4] =	ssyncset.s32 $0xFFFFF086  }
0x25: {  	[simem:s6], [sflag:s4] =	dma.local [hbm:s3], $0xF7A  }
0x26: {  	[smem:$0x3F9B] =	sst s1;
	(tag) =	ssettag s2;
	_ =	strace s9  }
0x27: {  	s1 =	sld [smem:$0x3FAB]  }
0x28: {  	s2 =	sld [smem:$0x3FAC]  }
0x29: {  	s4 =	sld [smem:$0x3FAE]  }
0x2a: {  	p0 =	seq.s32 s5, $0x0;
	s5 =	sld [smem:$0x3FAF]  }
0x2b: {  	s6 =	sld [smem:$0x3FB0]  }
0x2c: {  	s7 =	sld [smem:$0x3FB1]  }
0x2d: {  	s3 =	simm.s32 $0x108;
	s8 =	sld [smem:$0x3FB2]  }
0x2e: {  	s3 =	simm.s32 @!p0 $0x1082;
	s9 =	sld [smem:$0x3FB3]  }
0x2f: {  	lr =	sadd.s32 s0, s3;
	s0 =	sld [smem:$0x3FAA]  }
0x30: {  	s3 =	sld [smem:$0x3FAD]  }
0x31: {  	[smem:$0x3FB6] =	sst s10  }
0x32: {  	s10 =	sld [smem:$0x3FB4];
	_ =	sdelay $0x3  }
0x33: {  	p0 =	seq.s32 s10, $0x1;
	s10 =	sld [smem:$0x3FB6];
	_ =	sdelay $0x3  }
0x34: {  	[smem:$0x3FB6] =	sst s10  }
0x35: {  	s10 =	sld [smem:$0x3FB5];
	_ =	sdelay $0x3  }
0x36: {  	p1 =	seq.s32 s10, $0x1;
	s10 =	sld [smem:$0x3FB6];
	_ =	sdelay $0x3  }
0x37: {  	[smem:$0x3FB6] =	sst s10  }
0x38: {  	s10 =	sld [smem:$0x3FB7]  }
0x39: {  	_ = 	snop;
	(pc) =	sbr.ind lr, $3  }
0x3a: {  	_ = 	snop  }
0x3b: {  	_ = 	snop  }
0x3c: {  	p2 =	seq.s32 s10, $0x1;
	s10 =	sld [smem:$0x3FB6]  }
0x3d: {  	_ =	shalt  }
0x3e: {  	_ =	shalt  }
0x3f: {  	_ =	shalt  }
0x40: {  	_ =	shalt  }
0x41: {  	_ =	shalt  }
0x42: {  	_ =	shalt  }
0x43: {  	_ =	shalt  }
0x44: {  	_ =	shalt  }
0x45: {  	_ =	shalt  }
0x46: {  	_ =	shalt  }
0x47: {  	_ =	shalt  }
0x48: {  	_ =	shalt  }
0x49: {  	_ =	shalt  }
0x4a: {  	_ =	shalt  }
0x4b: {  	_ =	shalt  }
0x4c: {  	_ =	shalt  }
0x4d: {  	_ =	shalt  }
0x4e: {  	_ =	shalt  }
0x4f: {  	_ =	shalt  }
0x50: {  	_ =	shalt  }
0x51: {  	_ =	shalt  }
0x52: {  	_ =	shalt  }
0x53: {  	_ =	shalt  }
0x54: {  	_ =	shalt  }
0x55: {  	_ =	shalt  }
0x56: {  	_ =	shalt  }
0x57: {  	_ =	shalt  }
0x58: {  	_ =	shalt  }
0x59: {  	_ =	shalt  }
0x5a: {  	_ =	shalt  }
0x5b: {  	_ =	shalt  }
0x5c: {  	_ =	shalt  }
0x5d: {  	_ =	shalt  }
0x5e: {  	_ =	shalt  }
0x5f: {  	_ =	shalt  }
0x60: {  	_ =	shalt  }
0x61: {  	_ =	shalt  }
0x62: {  	_ =	shalt  }
0x63: {  	_ =	shalt  }
0x64: {  	_ =	shalt  }
0x65: {  	_ =	shalt  }
0x66: {  	_ =	shalt  }
0x67: {  	_ =	shalt  }
0x68: {  	_ =	shalt  }
0x69: {  	_ =	shalt  }
0x6a: {  	_ =	shalt  }
0x6b: {  	_ =	shalt  }
0x6c: {  	_ =	shalt  }
0x6d: {  	_ =	shalt  }
0x6e: {  	_ =	shalt  }
0x6f: {  	_ =	shalt  }
0x70: {  	_ =	shalt  }
0x71: {  	_ =	shalt  }
0x72: {  	_ =	shalt  }
0x73: {  	_ =	shalt  }
0x74: {  	_ =	shalt  }
0x75: {  	_ =	shalt  }
0x76: {  	_ =	shalt  }
0x77: {  	_ =	shalt  }
0x78: {  	_ =	shalt  }
0x79: {  	_ =	shalt  }
0x7a: {  	_ =	shalt  }
0x7b: {  	_ =	shalt  }
0x7c: {  	_ =	shalt  }
0x7d: {  	_ =	shalt  }
0x7e: {  	_ =	shalt  }
0x7f: {  	_ =	shalt  }
0x80: {  	_ =	shalt  }
0x81: {  	_ =	shalt  }
0x82: {  	_ =	shalt  }
0x83: {  	_ =	shalt  }
0x84: {  	_ =	shalt  }
0x85: {  	_ =	shalt  }
0x86: {  	_ =	shalt  }
0x87: {  	_ =	shalt  }
.Lfunc_end0:
.L_simem_size_0:
called_computation_lowered:
.L_overlay_start_0:
0x88: {  	s2 =	sld [smem:$0x3FD9]  }
0x89: {  	s3 =	sld [smem:$0x3FFE];
	_ =	sdelay $0x1  }
0x8a: {  	s1 =	srdreg.scid  }
0x8b: {  	s0 =	sand.u32 $0x1, s1  }
0x8c: {  	s17 =	sshll.u32 s0, $0xA;
	s2 =	sadd.s32 s3, s2  }
0x8d: {  	s2 =	sadd.s32 s2, s17  }
0x8e: {  	[smem:$0x3FC2] =	sst s2  }
0x8f: {  	_ = 	snop  }
0x90: {  	s2 =	sld [smem:$0x3FD0];
	(tm) =	ssettm $0x1  }
0x91: {  	s18 =	sld [smem:$0x3FFB];
	_ =	sdelay $0x3  }
0x92: {  	_ =	strace s18  }
0x93: {  	s3 =	sld [smem:$0x3FFC];
	_ =	sdelay $0x3  }
0x94: {  	_ =	strace s3  }
0x95: {  	s3 =	sld [smem:$0x3FFD];
	_ =	sdelay $0x3  }
0x96: {  	_ =	strace s3  }
0x97: {  	_ =	strace $0x8FFFFFFF  }
0x98: {  	s19 =	sld [smem:$0x3FDB];
	_ =	sdelay $0x1  }
0x99: {  	s4 =	simm.s32 $_scs_section_size  }
0x9a: {  	s5 =	simm.s32 $_size__tile_overlayer_lowered;
	s6 =	simm.s32 $_tile_overlayer_lowered  }
0x9b: {  	s22 =	simm.s32 $0x1BFF;
	s21 =	sshll.u32 s6, $0x1;
	s3 =	sadd.s32 s4, s19  }
0x9c: {  	s7 =	simm.s32 $0x0;
	s20 =	sshll.u32 s5, $0x1;
	s5 =	sadd.s32 s21, s3  }
0x9d: {  	[timem:s7], [sflag:s22] =	dma.local [hbm:s5], s20  }
0x9e: {  	_ =	swait.ge [sflag:s22], s20  }
0x9f: {  	s4 =	ssub.s32 $0x0, s20;
	[sflag:s22] =	ssyncset.done $0x0  }
0xa0: {  	[sflag:s22] =	ssyncadd.s32 s4;
	_ =	sdelay $0x1  }
0xa1: {  	s23 =	simm.s32 $0x1B8B  }
0xa2: {  	_ =	swait.ge [sflag:s23], $0x1  }
0xa3: {  	[sflag:s23] =	ssyncset.done $0x0  }
0xa4: {  	s25 =	simm.s32 $0x1B8E;
	s24 =	sld [smem:$0x3FFE];
	[sflag:s23] =	ssyncadd.s32 $0xFFFFFFFF  }
0xa5: {  	s26 =	simm.s32 $execute0_lowered;
	[smem:$0x3FD2] =	sst s25  }
0xa6: {  	s5 =	sshll.u32 s26, $0x1;
	_ =	strace $0x80000046;
	[dreg:$0x1] =	wrdreg $0xFFFFFFFF  }
0xa7: {  	s28 =	simm.s32 $_size_execute0_lowered;
	s3 =	sadd.s32 s3, s5;
	[dreg:$0x0] =	wrdreg $0x0  }
0xa8: {  	s5 =	sshll.u32 s28, $0x1;
	[dreg:$0x2] =	wrdreg s3  }
0xa9: {  	[dreg:$0x3] =	wrdreg s5  }
0xaa: {  	[dreg:$0x4] =	wrdreg $0xC0  }
0xab: {  	_ =	task [dreg:s7], $0x5FFFF  }
0xac: {  	[dreg:$0x1] =	wrdreg $0xFFFFFFFF  }
0xad: {  	[dreg:$0x0] =	wrdreg $0x60  }
0xae: {  	[dreg:$0x2] =	wrdreg s24  }
0xaf: {  	[dreg:$0x3] =	wrdreg s2  }
0xb0: {  	[dreg:$0x4] =	wrdreg $0x9  }
0xb1: {  	_ =	task.clear_ibuf [dreg:s7], $0x5FFFF;
	_ =	strace $0x90000046  }
0xb2: {  	s29 =	simm.s32 $0x9;
	_ =	strace $0x80000048  }
0xb3: {  	_ =	swait.ge [sflag:s29], $0x1  }
0xb4: {  	[sflag:s29] =	ssyncadd.s32 $0xFFFFFFFF  }
0xb5: {  	_ =	strace $0x90000048  }
0xb6: {  	_ =	sfence  }
0xb7: {  	s30 =	sld [smem:$0x0];
	_ =	sdelay $0x2  }
0xb8: {  	s31 =	sshll.u32 s1, $0xD;
	s1 =	sshrl.u32 s1, $0x2  }
0xb9: {  	s3 =	sand.u32 $0x4000, s31;
	s1 =	sadd.s32 s1, s30  }
0xba: {  	s0 =	sor.u32 s3, s0;
	s1 =	sshll.u32 s1, $0x11  }
0xbb: {  	s0 =	sor.u32 s1, s0  }
0xbc: {  	s0 =	sadd.s32 $0x8F2B, s0  }
0xbd: {  	[sflag:s0] =	ssyncadd.remote.s32 $0x1  }
0xbe: {  	_ =	sfence.sel $0xFFFF  }
0xbf: {  	[dreg:$0x0] =	wrdreg $0xFFFFFFFF;
	(pc) =	sbr.abs _section_cstart, $3  }
0xc0: {  	[dreg:$0x1] =	wrdreg $0xFFFFFFFF  }
0xc1: {  	_ =	task.clear_ibuf [dreg:s7], $0x2FFFF;
	_ =	strace $0x9FFFFFFF  }
0xc2: {  	(tm) =	ssettm $0x7FFFFFFF  }
0xc3: {  	_ =	shalt  }
tec
execute0_lowered:
.L_overlay_start_1:
0x0: {  	(tag) =	ssettag $0x1  }
0x1: {  	s1 =	srdreg.scid;
	s0 =	stileid.u32  }
0x2: {  	s5 =	rddreg [dreg:$0x0];
	s23 =	sand.u32 $0x1, s1;
	s29 =	sshll.u32 s0, $0x1  }
0x3: {  	s22 =	rddreg [dreg:$0x1];
	s24 =	sor.u32 s23, s29  }
0x4: {  	s2 =	simm.s32 $0x0;
	s1 =	rddreg [dreg:$0x2];
	s3 =	sshll.u32 s24, $0x7  }
0x5: {  	[smem:$0x7FF] =	sst s2;
	s3 =	sadd.s32 s3, s5  }
0x6: {  	_ =	strace $0x80000047;
	s4 =	sadd.s32 $0x1400, s3;
	s3 =	simm.s32 $0x2  }
0x7: {  	[tilespmem:s2], [sflag:$0x2] =	stream.linear.gather [hbm4b:s4+s2], $0x400, $0x38;
	[tilespmem:$0x2400] =	vst v63  }
0x8: {  	_ =	swait.ge [sflag:s3], $0x400  }
0x9: {  	s6 =	simm.s32 $0x80;
	[sflag:s3] =	ssyncset.done $0x0  }
0xa: {  	s7 =	simm.s32 $0x400;
	s5 =	sadd.s32 $0xC00, s5;
	[sflag:s3] =	ssyncadd.s32 $0xFFFFFC00  }
0xb: {  	[tilespmem:s7], [sflag:$0x1] =	stream.indirect.gather [hbm4b:s5+s6], $0x8, s2, s6, $0xb8;
	[tilespmem:$0x2400] =	vst v63  }
0xc: {  	s8 =	simm.s32 $0x800  }
0xd: {  	[tilespmem:s8], [sflag:$0x1] =	stream.indirect.gather [hbm4b:s5+s6], $0x8, s6, s6, $0xb8;
	[tilespmem:$0x2400] =	vst v63  }
0xe: {  	s9 =	simm.s32 $0x100;
	s10 =	simm.s32 $0xC00  }
0xf: {  	[tilespmem:s10], [sflag:$0x1] =	stream.indirect.gather [hbm4b:s5+s6], $0x8, s9, s6, $0xb8;
	[tilespmem:$0x2400] =	vst v63  }
0x10: {  	s11 =	simm.s32 $0x180;
	s12 =	simm.s32 $0x1000  }
0x11: {  	[tilespmem:s12], [sflag:$0x1] =	stream.indirect.gather [hbm4b:s5+s6], $0x8, s11, s6, $0xb8;
	[tilespmem:$0x2400] =	vst v63  }
0x12: {  	s13 =	simm.s32 $0x200;
	s14 =	simm.s32 $0x1400  }
0x13: {  	[tilespmem:s14], [sflag:$0x1] =	stream.indirect.gather [hbm4b:s5+s6], $0x8, s13, s6, $0xb8;
	[tilespmem:$0x2400] =	vst v63  }
0x14: {  	s15 =	simm.s32 $0x280;
	s16 =	simm.s32 $0x1800  }
0x15: {  	[tilespmem:s16], [sflag:$0x1] =	stream.indirect.gather [hbm4b:s5+s6], $0x8, s15, s6, $0xb8;
	[tilespmem:$0x2400] =	vst v63  }
0x16: {  	s17 =	simm.s32 $0x300;
	s18 =	simm.s32 $0x1C00  }
0x17: {  	[tilespmem:s18], [sflag:$0x1] =	stream.indirect.gather [hbm4b:s5+s6], $0x8, s17, s6, $0xb8;
	[tilespmem:$0x2400] =	vst v63  }
0x18: {  	s19 =	simm.s32 $0x380;
	s20 =	simm.s32 $0x2000;
	s21 =	simm.s32 $0x1  }
0x19: {  	[tilespmem:s20], [sflag:$0x1] =	stream.indirect.gather [hbm4b:s5+s6], $0x8, s19, s6, $0xb8;
	[tilespmem:$0x2400] =	vst v63  }
0x1a: {  	_ =	swait.ge [sflag:s21], $0x400  }
0x1b: {  	[sflag:s21] =	ssyncset.done $0x0  }
0x1c: {  	[sflag:s21] =	ssyncadd.s32 $0xFFFFFC00  }
0x1d: {  	_ =	swait.ge [sflag:s21], $0x400  }
0x1e: {  	[sflag:s21] =	ssyncset.done $0x0  }
0x1f: {  	[sflag:s21] =	ssyncadd.s32 $0xFFFFFC00  }
0x20: {  	_ =	swait.ge [sflag:s21], $0x400  }
0x21: {  	[sflag:s21] =	ssyncset.done $0x0  }
0x22: {  	[sflag:s21] =	ssyncadd.s32 $0xFFFFFC00  }
0x23: {  	_ =	swait.ge [sflag:s21], $0x400  }
0x24: {  	[sflag:s21] =	ssyncset.done $0x0  }
0x25: {  	[sflag:s21] =	ssyncadd.s32 $0xFFFFFC00  }
0x26: {  	_ =	swait.ge [sflag:s21], $0x400  }
0x27: {  	[sflag:s21] =	ssyncset.done $0x0  }
0x28: {  	[sflag:s21] =	ssyncadd.s32 $0xFFFFFC00  }
0x29: {  	s25 =	simm.s32 $0x0;
	_ =	swait.ge [sflag:s21], $0x400  }
0x2a: {  	s26 =	simm.s32 $0x0;
	p0 =	slt.u32 s0, $0x8;
	[sflag:s21] =	ssyncset.done $0x0  }
0x2b: {  	s25 =	simm.s32 @!p0 $0xFFE00000;
	s23 =	ssub.s32 $0x2, s23;
	[sflag:s21] =	ssyncadd.s32 $0xFFFFFC00  }
0x2c: {  	s26 =	simm.s32 @!p0 $0x10;
	s30 =	sshrl.u32 s23, $0x1;
	_ =	swait.ge [sflag:s21], $0x400  }
0x2d: {  	s24 =	sshll.u32 s24, $0x11;
	s23 =	ssub.s32 s23, s30;
	[sflag:s21] =	ssyncset.done $0x0  }
0x2e: {  	s24 =	sadd.s32 s25, s24;
	s31 =	smax.u32 s23, $0x1;
	[sflag:s21] =	ssyncadd.s32 $0xFFFFFC00  }
0x2f: {  	s24 =	sor.u32 s26, s24;
	p0 =	sne.s32 s31, $0x1;
	_ =	swait.ge [sflag:s21], $0x400  }
.Ltmp0:
0x30: {  	s24 =	sshrl.u32 s24, $0x3;
	[sflag:s21] =	ssyncset.done $0x0;
	(pc) =	sbr.rel @!p0 .LBB2_2-.Ltmp0, $4  }
0x31: {  	s23 =	simm.s32 $0x8;
	s22 =	sadd.s32 s22, s24;
	[sflag:s21] =	ssyncadd.s32 $0xFFFFFC00  }
0x32: {  	[hbm4b:s22+s23] =	stream.strided.scatter [tilespmem:s7], [sflag:$0x2], $0x2000, s6, s23, $0x38;
	[tilespmem:$0x2400] =	vst v63  }
0x33: {  	_ =	swait.ge [sflag:s3], $0x2000  }
0x34: {  	s24 =	sadd.s32 $0xFFFFFFFF, s31;
	[sflag:s3] =	ssyncset.done $0x0  }
.LBB2_1:
0x35: {  	p0 =	sne.s32 s24, $0x1;
	s24 =	sadd.s32 $0xFFFFFFFF, s24;
	[sflag:s3] =	ssyncadd.s32 $0xFFFFE000  }
0x36: {  	[tilespmem:s2], [sflag:$0x2] =	stream.linear.gather [hbm4b:s4+s2], $0x400, $0x38;
	[tilespmem:$0x2400] =	vst v63  }
0x37: {  	_ =	swait.ge [sflag:s3], $0x400  }
0x38: {  	[sflag:s3] =	ssyncset.done $0x0  }
0x39: {  	[sflag:s3] =	ssyncadd.s32 $0xFFFFFC00  }
0x3a: {  	[tilespmem:s7], [sflag:$0x1] =	stream.indirect.gather [hbm4b:s5+s6], $0x8, s2, s6, $0xb8;
	[tilespmem:$0x2400] =	vst v63  }
0x3b: {  	_ = 	snop  }
0x3c: {  	[tilespmem:s8], [sflag:$0x1] =	stream.indirect.gather [hbm4b:s5+s6], $0x8, s6, s6, $0xb8;
	[tilespmem:$0x2400] =	vst v63  }
0x3d: {  	_ = 	snop  }
0x3e: {  	[tilespmem:s10], [sflag:$0x1] =	stream.indirect.gather [hbm4b:s5+s6], $0x8, s9, s6, $0xb8;
	[tilespmem:$0x2400] =	vst v63  }
0x3f: {  	_ = 	snop  }
0x40: {  	[tilespmem:s12], [sflag:$0x1] =	stream.indirect.gather [hbm4b:s5+s6], $0x8, s11, s6, $0xb8;
	[tilespmem:$0x2400] =	vst v63  }
0x41: {  	_ = 	snop  }
0x42: {  	[tilespmem:s14], [sflag:$0x1] =	stream.indirect.gather [hbm4b:s5+s6], $0x8, s13, s6, $0xb8;
	[tilespmem:$0x2400] =	vst v63  }
0x43: {  	_ = 	snop  }
0x44: {  	[tilespmem:s16], [sflag:$0x1] =	stream.indirect.gather [hbm4b:s5+s6], $0x8, s15, s6, $0xb8;
	[tilespmem:$0x2400] =	vst v63  }
0x45: {  	_ = 	snop  }
0x46: {  	[tilespmem:s18], [sflag:$0x1] =	stream.indirect.gather [hbm4b:s5+s6], $0x8, s17, s6, $0xb8;
	[tilespmem:$0x2400] =	vst v63  }
0x47: {  	_ = 	snop  }
0x48: {  	[tilespmem:s20], [sflag:$0x1] =	stream.indirect.gather [hbm4b:s5+s6], $0x8, s19, s6, $0xb8;
	[tilespmem:$0x2400] =	vst v63  }
0x49: {  	_ =	swait.ge [sflag:s21], $0x400  }
0x4a: {  	[sflag:s21] =	ssyncset.done $0x0  }
0x4b: {  	[sflag:s21] =	ssyncadd.s32 $0xFFFFFC00  }
0x4c: {  	_ =	swait.ge [sflag:s21], $0x400  }
0x4d: {  	[sflag:s21] =	ssyncset.done $0x0  }
0x4e: {  	[sflag:s21] =	ssyncadd.s32 $0xFFFFFC00  }
0x4f: {  	_ =	swait.ge [sflag:s21], $0x400  }
0x50: {  	[sflag:s21] =	ssyncset.done $0x0  }
0x51: {  	[sflag:s21] =	ssyncadd.s32 $0xFFFFFC00  }
0x52: {  	_ =	swait.ge [sflag:s21], $0x400  }
0x53: {  	[sflag:s21] =	ssyncset.done $0x0  }
0x54: {  	[sflag:s21] =	ssyncadd.s32 $0xFFFFFC00  }
0x55: {  	_ =	swait.ge [sflag:s21], $0x400  }
0x56: {  	[sflag:s21] =	ssyncset.done $0x0  }
0x57: {  	[sflag:s21] =	ssyncadd.s32 $0xFFFFFC00  }
0x58: {  	_ =	swait.ge [sflag:s21], $0x400  }
0x59: {  	[sflag:s21] =	ssyncset.done $0x0  }
0x5a: {  	[sflag:s21] =	ssyncadd.s32 $0xFFFFFC00  }
0x5b: {  	_ =	swait.ge [sflag:s21], $0x400  }
0x5c: {  	[sflag:s21] =	ssyncset.done $0x0  }
0x5d: {  	[sflag:s21] =	ssyncadd.s32 $0xFFFFFC00  }
0x5e: {  	_ =	swait.ge [sflag:s21], $0x400  }
.Ltmp1:
0x5f: {  	[sflag:s21] =	ssyncset.done $0x0;
	(pc) =	sbr.rel @p0 .LBB2_1-.Ltmp1, $4  }
0x60: {  	[sflag:s21] =	ssyncadd.s32 $0xFFFFFC00  }
0x61: {  	[hbm4b:s22+s23] =	stream.strided.scatter [tilespmem:s7], [sflag:$0x2], $0x2000, s6, s23, $0x38;
	[tilespmem:$0x2400] =	vst v63  }
0x62: {  	_ =	swait.ge [sflag:s3], $0x2000  }
0x63: {  	[sflag:s3] =	ssyncset.done $0x0  }
.LBB2_2:
0x64: {  	[sflag:s3] =	ssyncadd.s32 $0xFFFFE000  }
0x65: {  	_ =	sfence.sel $0x180000  }
0x66: {  	[bflag:$0x0] =	sbarrier.arrive $0xFFFF  }
0x67: {  	p0 =	sne.s32 s0, $0x0;
	_ =	strace $0x90000047  }
0x68: {  	s0 =	sadd.s32 @!p0 $0x100000, s1;
	[bflag:$0x2] =	sbarrier.arrive $0xFFFF  }
0x69: {  	[sflag:s0] =	ssyncadd.tile.s32 @!p0 $0x1;
	_ =	shalt  }
.Lfunc_end2:
_tile_overlayer_lowered:
.L_overlay_start_2:
0x6a: {  	(tag) =	ssettag $0x2  }
0x6b: {  	s0 =	rddreg [dreg:$0x0];
	s2 =	stileid.u32  }
0x6c: {  	s1 =	rddreg [dreg:$0x1];
	p0 =	sne.s32 s2, $0x0  }
0x6d: {  	s3 =	rddreg [dreg:$0x2];
	[bflag:$0x3] =	sbarrier.arrive $0xFFFF;
	s2 =	simm.s32 @!p0 $0x1C02  }
0x6e: {  	[timem:s3], [sflag:s2] =	dma.local @!p0 [hbm:s0], s1  }
0x6f: {  	s0 =	simm.s32 @!p0 $0x2  }
0x70: {  	_ =	swait.ge @!p0 [sflag:s0], s1  }
0x71: {  	s1 =	ssub.s32 @!p0 $0x0, s1;
	[sflag:s0] =	ssyncset.done @!p0 $0x0  }
0x72: {  	[sflag:s0] =	ssyncadd.s32 @!p0 s1  }
0x73: {  	[bflag:$0x3] =	sbarrier.arrive $0xFFFF  }
0x74: {  	_ =	shalt  }

</sc_bundles>
